<compile_context>
chip_gen: v7x
topology: tpu7x:2x2x1
jax: 0.10.2.dev20260603
libtpu: 0.0.44.dev20260713+nightly
codegen_flags: <defaults>
</compile_context>

<pallas_src>
import jax
import jax.numpy as jnp
from jax.experimental import pallas as pl

STRIDE = 8
A = 3
NC = 80
C = 5 + NC


def _decode_body(x_ref, m_ref, o_ref):
    v = x_ref[0]
    sig = jax.nn.sigmoid(v)
    ex = jnp.exp(v)
    ch = jax.lax.broadcasted_iota(jnp.int32, v.shape, 0)
    i_f = jax.lax.broadcasted_iota(jnp.int32, v.shape, 1).astype(jnp.float32)
    j_f = jax.lax.broadcasted_iota(jnp.int32, v.shape, 2).astype(jnp.float32)
    use_exp = (ch == 3) | (ch == 4)
    base = jnp.where(use_exp, ex, sig)
    mult = m_ref[0]
    add = jnp.where(ch == 1, jnp.float32(STRIDE) * i_f,
                    jnp.where(ch == 2, jnp.float32(STRIDE) * j_f,
                              jnp.float32(0.0)))
    dec = base * mult + add
    o_ref[0] = jnp.transpose(dec, (1, 2, 0))


def kernel(x, anchors):
    B = x.shape[0]
    G = x.shape[2]
    xs = x.reshape(B * A, C, G, G)

    ones = jnp.ones((A, C), dtype=jnp.float32)
    mult = ones.at[:, 1:3].set(jnp.float32(STRIDE))
    mult = mult.at[:, 3:5].set(anchors)
    mult = mult.reshape(A, C, 1, 1)

    out = pl.pallas_call(
        _decode_body,
        grid=(B * A,),
        in_specs=[
            pl.BlockSpec((1, C, G, G), lambda g: (g, 0, 0, 0)),
            pl.BlockSpec((1, C, 1, 1), lambda g: (g % A, 0, 0, 0)),
        ],
        out_specs=pl.BlockSpec((1, G, G, C), lambda g: (g, 0, 0, 0)),
        out_shape=jax.ShapeDtypeStruct((B * A, G, G, C), jnp.float32),
    )(xs, mult)
    return out.reshape(B, A * G * G, C)

# --- scband reference (transcript-rebuilt; emitter-appended) ---
"""Pipeline reference for scband-yololayer-19816979104601 (READ-ONLY COPY).

The authoritative reference and input builder live on the scoring server;
editing this copy changes nothing except your own understanding.
"""

import jax, jax.numpy as jnp
import numpy as np

STRIDE = 8
A = 3
NC = 80

def setup_inputs(seed: int = 0) -> dict:
    key = jax.random.key(seed)
    x = jax.random.normal(key, (32, 255, 64, 64), dtype=jnp.float32)
    anchors = jnp.array([[10.0, 13.0], [16.0, 30.0], [33.0, 23.0]], dtype=jnp.float32)
    return {"x": x, "anchors": anchors}

def reference(x, anchors):
    # Eval path of YOLOLayer.forward: reshape + decoder (target_tensor=None)
    B = x.shape[0]
    G = x.shape[2]
    C = 5 + NC
    # view(B, A, -1, G, G).permute(0,1,3,4,2)
    xr = x.reshape(B, A, C, G, G).transpose(0, 1, 3, 4, 2)
    # grid_xy: meshgrid(indexing='ij'), stacked on last dim -> (1,1,G,G,2)
    ii, jj = jnp.meshgrid(jnp.arange(G), jnp.arange(G), indexing='ij')
    grid_xy = jnp.stack([ii, jj], axis=-1).reshape(1, 1, G, G, 2).astype(jnp.float32)
    anchor_decoder_wh = (anchors / STRIDE).reshape(1, A, 1, 1, 2)
    conf = jax.nn.sigmoid(xr[..., 0:1])
    xy = (jax.nn.sigmoid(xr[..., 1:3]) + grid_xy) * STRIDE
    wh = jnp.exp(xr[..., 3:5]) * anchor_decoder_wh * STRIDE
    cls = jax.nn.sigmoid(xr[..., 5:])
    out = jnp.concatenate([conf, xy, wh, cls], axis=-1)
    return out.reshape(B, -1, C)

if __name__ == "__main__":
    import jax
    _d = setup_inputs()
    print(jax.jit(kernel)(*tuple(_d.values())))

</pallas_src>

<mosaic_0001>
module attributes {stable_mosaic.version = 14 : i64} {
  func.func @_decode_body(%arg0: i32, %arg1: memref<1x85x64x64xf32, #tpu.memory_space<vmem>>, %arg2: memref<1x85x1x1xf32, #tpu.memory_space<vmem>>, %arg3: memref<1x64x64x85xf32, #tpu.memory_space<vmem>>) attributes {dimension_semantics = [#tpu.dimension_semantics<arbitrary>], iteration_bounds = array<i64: 96>, scalar_prefetch = 0 : i64, scratch_operands = 0 : i64, tpu.core_type = #tpu.core_type<tc>, window_params = [{transform_indices = @transform_0, window_bounds = array<i64: 1, 85, 64, 64>}, {transform_indices = @transform_1, window_bounds = array<i64: 1, 85, 1, 1>}, {transform_indices = @transform_2, window_bounds = array<i64: 1, 64, 64, 85>}]} {
    %get3A = arith.constant 0 : index
    %get3A_0 = arith.constant 0 : index
    %get3A_1 = arith.constant 0 : index
    %get3A_2 = arith.constant 0 : index
    %get3A_3 = vector.load %arg1[%get3A, %get3A_0, %get3A_1, %get3A_2] : memref<1x85x64x64xf32, #tpu.memory_space<vmem>>, vector<1x85x64x64xf32>
    %get3A_4 = vector.shape_cast %get3A_3 : vector<1x85x64x64xf32> to vector<85x64x64xf32>
    %logistic3A = arith.negf %get3A_4 : vector<85x64x64xf32>
    %logistic3A_5 = math.exp %logistic3A : vector<85x64x64xf32>
    %logistic3A_6 = arith.constant 1.000000e+00 : f32
    %logistic3A_7 = vector.broadcast %logistic3A_6 : f32 to vector<85x64x64xf32>
    %logistic3A_8 = arith.addf %logistic3A_7, %logistic3A_5 : vector<85x64x64xf32>
    %logistic3A_9 = arith.divf %logistic3A_7, %logistic3A_8 : vector<85x64x64xf32>
    %exp3A = math.exp %get3A_4 : vector<85x64x64xf32>
    %iota3A = tpu.iota {dimensions = array<i32: 0>} : vector<85x64x64xi32>
    %iota3A_10 = tpu.iota {dimensions = array<i32: 1>} : vector<85x64x64xi32>
    %convert_element_type3A = arith.sitofp %iota3A_10 : vector<85x64x64xi32> to vector<85x64x64xf32>
    %iota3A_11 = tpu.iota {dimensions = array<i32: 2>} : vector<85x64x64xi32>
    %convert_element_type3A_12 = arith.sitofp %iota3A_11 : vector<85x64x64xi32> to vector<85x64x64xf32>
    %eq3A = arith.constant 3 : i32
    %eq3A_13 = vector.broadcast %eq3A : i32 to vector<85x64x64xi32>
    %eq3A_14 = arith.cmpi eq, %iota3A, %eq3A_13 : vector<85x64x64xi32>
    %eq3A_15 = arith.constant 4 : i32
    %eq3A_16 = vector.broadcast %eq3A_15 : i32 to vector<85x64x64xi32>
    %eq3A_17 = arith.cmpi eq, %iota3A, %eq3A_16 : vector<85x64x64xi32>
    %or3A = arith.ori %eq3A_14, %eq3A_17 : vector<85x64x64xi1>
    %select_n3A = arith.select %or3A, %exp3A, %logistic3A_9 : vector<85x64x64xi1>, vector<85x64x64xf32>
    %get3A_18 = arith.constant 0 : index
    %get3A_19 = arith.constant 0 : index
    %get3A_20 = arith.constant 0 : index
    %get3A_21 = arith.constant 0 : index
    %get3A_22 = vector.load %arg2[%get3A_18, %get3A_19, %get3A_20, %get3A_21] : memref<1x85x1x1xf32, #tpu.memory_space<vmem>>, vector<1x85x1x1xf32>
    %get3A_23 = vector.shape_cast %get3A_22 : vector<1x85x1x1xf32> to vector<85x1x1xf32>
    %eq3A_24 = arith.constant 1 : i32
    %eq3A_25 = vector.broadcast %eq3A_24 : i32 to vector<85x64x64xi32>
    %eq3A_26 = arith.cmpi eq, %iota3A, %eq3A_25 : vector<85x64x64xi32>
    %mul3A = arith.constant 8.000000e+00 : f32
    %mul3A_27 = vector.broadcast %mul3A : f32 to vector<85x64x64xf32>
    %mul3A_28 = arith.mulf %mul3A_27, %convert_element_type3A : vector<85x64x64xf32>
    %eq3A_29 = arith.constant 2 : i32
    %eq3A_30 = vector.broadcast %eq3A_29 : i32 to vector<85x64x64xi32>
    %eq3A_31 = arith.cmpi eq, %iota3A, %eq3A_30 : vector<85x64x64xi32>
    %mul3A_32 = arith.constant 8.000000e+00 : f32
    %mul3A_33 = vector.broadcast %mul3A_32 : f32 to vector<85x64x64xf32>
    %mul3A_34 = arith.mulf %mul3A_33, %convert_element_type3A_12 : vector<85x64x64xf32>
    %jit3A = arith.constant 0.000000e+00 : f32
    %broadcast_in_dim3A = vector.broadcast %jit3A : f32 to vector<85x64x64xf32>
    %select_n3A_35 = arith.select %eq3A_31, %mul3A_34, %broadcast_in_dim3A : vector<85x64x64xi1>, vector<85x64x64xf32>
    %select_n3A_36 = arith.select %eq3A_26, %mul3A_28, %select_n3A_35 : vector<85x64x64xi1>, vector<85x64x64xf32>
    %mul3A_37 = vector.broadcast %get3A_23 : vector<85x1x1xf32> to vector<85x64x64xf32>
    %mul3A_38 = arith.mulf %select_n3A, %mul3A_37 : vector<85x64x64xf32>
    %add3A = arith.addf %mul3A_38, %select_n3A_36 : vector<85x64x64xf32>
    %transpose3A = tpu.transpose %add3A, [1, 2, 0] : vector<85x64x64xf32> -> vector<64x64x85xf32>
    %swap3A = arith.constant 0 : index
    %swap3A_39 = arith.constant 0 : index
    %swap3A_40 = arith.constant 0 : index
    %swap3A_41 = arith.constant 0 : index
    %swap3A_42 = vector.load %arg3[%swap3A, %swap3A_39, %swap3A_40, %swap3A_41] : memref<1x64x64x85xf32, #tpu.memory_space<vmem>>, vector<1x64x64x85xf32>
    %swap3A_43 = vector.shape_cast %swap3A_42 : vector<1x64x64x85xf32> to vector<64x64x85xf32>
    %swap3A_44 = vector.shape_cast %transpose3A : vector<64x64x85xf32> to vector<1x64x64x85xf32>
    tpu.vector_store %arg3[%swap3A, %swap3A_39, %swap3A_40, %swap3A_41], %swap3A_44 {strides = array<i32>} : memref<1x64x64x85xf32, #tpu.memory_space<vmem>>, vector<1x64x64x85xf32>,
    return
  }
  func.func @transform_0(%arg0: i32) -> (i32, i32, i32, i32) {
    %c0_i32 = arith.constant 0 : i32
    %c0_i32_0 = arith.constant 0 : i32
    %c0_i32_1 = arith.constant 0 : i32
    %c0_i32_2 = arith.constant 0 : i32
    return %arg0, %c0_i32, %c0_i32_0, %c0_i32_1 : i32, i32, i32, i32
  }
  func.func @transform_1(%arg0: i32) -> (i32, i32, i32, i32) {
    %jit3A = arith.constant 3 : i32
    %eq3A = arith.constant 0 : i32
    %eq3A_0 = arith.cmpi eq, %jit3A, %eq3A : i32
    %jit3A_1 = arith.constant 1 : i32
    %select_n3A = arith.select %eq3A_0, %jit3A_1, %jit3A : i32
    %rem3A = arith.remsi %arg0, %select_n3A : i32
    %ne3A = arith.constant 0 : i32
    %ne3A_2 = arith.cmpi ne, %rem3A, %ne3A : i32
    %lt3A = arith.constant 0 : i32
    %lt3A_3 = arith.cmpi slt, %rem3A, %lt3A : i32
    %lt3A_4 = arith.constant 0 : i32
    %lt3A_5 = arith.cmpi slt, %select_n3A, %lt3A_4 : i32
    %ne3A_6 = arith.xori %lt3A_3, %lt3A_5 : i1
    %and3A = arith.andi %ne3A_6, %ne3A_2 : i1
    %add3A = arith.addi %rem3A, %select_n3A : i32
    %select_n3A_7 = arith.select %and3A, %add3A, %rem3A : i32
    %c0_i32 = arith.constant 0 : i32
    %c0_i32_8 = arith.constant 0 : i32
    %c0_i32_9 = arith.constant 0 : i32
    %c0_i32_10 = arith.constant 0 : i32
    return %select_n3A_7, %c0_i32, %c0_i32_8, %c0_i32_9 : i32, i32, i32, i32
  }
  func.func @transform_2(%arg0: i32) -> (i32, i32, i32, i32) {
    %c0_i32 = arith.constant 0 : i32
    %c0_i32_0 = arith.constant 0 : i32
    %c0_i32_1 = arith.constant 0 : i32
    %c0_i32_2 = arith.constant 0 : i32
    return %arg0, %c0_i32, %c0_i32_0, %c0_i32_1 : i32, i32, i32, i32
  }
}

</mosaic_0001>

<sc_bundles>
// kernel: sparse-core-data-format-call.cloned.1.call-start
scs
called_computation_lowered:
.L_overlay_start_0:
0x0: {  	s2 =	sld [smem:$0x3FD9]  }
0x1: {  	s3 =	sld [smem:$0x3FFE];
	_ =	sdelay $0x1  }
0x2: {  	s1 =	srdreg.scid  }
0x3: {  	s0 =	sand.u32 $0x1, s1  }
0x4: {  	s18 =	sshll.u32 s0, $0xA;
	s2 =	sadd.s32 s3, s2  }
0x5: {  	s2 =	sadd.s32 s2, s18  }
0x6: {  	[smem:$0x3FC6] =	sst s2  }
0x7: {  	_ = 	snop  }
0x8: {  	s2 =	sld [smem:$0x3FD0];
	(tm) =	ssettm $0x1  }
0x9: {  	s19 =	sld [smem:$0x3FFB];
	_ =	sdelay $0x3  }
0xa: {  	_ =	strace s19  }
0xb: {  	s3 =	sld [smem:$0x3FFC];
	_ =	sdelay $0x3  }
0xc: {  	_ =	strace s3  }
0xd: {  	s3 =	sld [smem:$0x3FFD];
	_ =	sdelay $0x3  }
0xe: {  	_ =	strace s3  }
0xf: {  	_ =	strace $0x8FFFFFFF  }
0x10: {  	s20 =	sld [smem:$0x3FDB];
	_ =	sdelay $0x1  }
0x11: {  	s4 =	simm.s32 $_scs_section_size  }
0x12: {  	s5 =	simm.s32 $_size__tile_overlayer_lowered;
	s6 =	simm.s32 $_tile_overlayer_lowered  }
0x13: {  	s23 =	simm.s32 $0x1BFF;
	s22 =	sshll.u32 s6, $0x1;
	s3 =	sadd.s32 s4, s20  }
0x14: {  	s7 =	simm.s32 $0x0;
	s21 =	sshll.u32 s5, $0x1;
	s5 =	sadd.s32 s22, s3  }
0x15: {  	[timem:s7], [sflag:s23] =	dma.local [hbm:s5], s21  }
0x16: {  	_ =	swait.ge [sflag:s23], s21  }
0x17: {  	s4 =	ssub.s32 $0x0, s21;
	[sflag:s23] =	ssyncset.done $0x0  }
0x18: {  	[sflag:s23] =	ssyncadd.s32 s4;
	_ =	sdelay $0x1  }
0x19: {  	s24 =	simm.s32 $0x1B8B  }
0x1a: {  	_ =	swait.ge [sflag:s24], $0x1  }
0x1b: {  	[sflag:s24] =	ssyncset.done $0x0  }
0x1c: {  	s26 =	simm.s32 $0x1B8E;
	s25 =	sld [smem:$0x3FFE];
	[sflag:s24] =	ssyncadd.s32 $0xFFFFFFFF  }
0x1d: {  	s27 =	simm.s32 $execute0_lowered;
	[smem:$0x3FD2] =	sst s26  }
0x1e: {  	s5 =	sshll.u32 s27, $0x1;
	_ =	strace $0x80000046;
	[dreg:$0x1] =	wrdreg $0xFFFFFFFF  }
0x1f: {  	s28 =	simm.s32 $_size_execute0_lowered;
	s3 =	sadd.s32 s3, s5;
	[dreg:$0x0] =	wrdreg $0x0  }
0x20: {  	s5 =	sshll.u32 s28, $0x1;
	[dreg:$0x2] =	wrdreg s3  }
0x21: {  	[dreg:$0x3] =	wrdreg s5  }
0x22: {  	[dreg:$0x4] =	wrdreg $0xC0  }
0x23: {  	_ =	task [dreg:s7], $0x5FFFF  }
0x24: {  	[dreg:$0x1] =	wrdreg $0xFFFFFFFF  }
0x25: {  	[dreg:$0x0] =	wrdreg $0x60  }
0x26: {  	[dreg:$0x2] =	wrdreg s25  }
0x27: {  	[dreg:$0x3] =	wrdreg s2  }
0x28: {  	[dreg:$0x4] =	wrdreg $0x9  }
0x29: {  	_ =	task.clear_ibuf [dreg:s7], $0x5FFFF;
	_ =	strace $0x90000046  }
0x2a: {  	s29 =	simm.s32 $0x9;
	_ =	strace $0x80000048  }
0x2b: {  	_ =	swait.ge [sflag:s29], $0x1  }
0x2c: {  	[sflag:s29] =	ssyncadd.s32 $0xFFFFFFFF  }
0x2d: {  	_ =	strace $0x90000048  }
0x2e: {  	_ =	sfence  }
0x2f: {  	s30 =	sld [smem:$0x0];
	_ =	sdelay $0x2  }
0x30: {  	s31 =	sshll.u32 s1, $0xD;
	s1 =	sshrl.u32 s1, $0x2  }
0x31: {  	s3 =	sand.u32 $0x4000, s31;
	s1 =	sadd.s32 s1, s30  }
0x32: {  	s0 =	sor.u32 s3, s0;
	s1 =	sshll.u32 s1, $0x11  }
0x33: {  	s0 =	sor.u32 s1, s0  }
0x34: {  	s0 =	sadd.s32 $0x8F2B, s0  }
0x35: {  	[sflag:s0] =	ssyncadd.remote.s32 $0x1  }
0x36: {  	_ =	sfence.sel $0xFFFF  }
0x37: {  	[dreg:$0x0] =	wrdreg $0xFFFFFFFF;
	(pc) =	sbr.abs _section_cstart, $3  }
0x38: {  	[dreg:$0x1] =	wrdreg $0xFFFFFFFF  }
0x39: {  	_ =	task.clear_ibuf [dreg:s7], $0x2FFFF;
	_ =	strace $0x9FFFFFFF  }
0x3a: {  	(tm) =	ssettm $0x7FFFFFFF  }
0x3b: {  	_ =	shalt  }
tec
execute0_lowered:
.L_overlay_start_1:
0x0: {  	(tag) =	ssettag $0x1  }
0x1: {  	s1 =	rddreg [dreg:$0x0]  }
0x2: {  	s2 =	rddreg [dreg:$0x1]  }
0x3: {  	s0 =	rddreg [dreg:$0x2]  }
0x4: {  	s4 =	srdreg.scid;
	_ =	strace $0x80000047;
	s6 =	simm.s32 $0x2  }
0x5: {  	s12 =	simm.s32 $0x0;
	p0 =	por $0x0, $0x0;
	s13 =	simm.s32 $0x0  }
.Ltmp0:
0x6: {  	s8 =	simm.s32 $0x0;
	s9 =	simm.s32 $0x0;
	(pc) =	sbr.rel .LBB1_1-.Ltmp0, $4  }
0x7: {  	s10 =	simm.s32 $0x0;
	s3 =	sadd.s32 $0x7F8000, s1;
	s4 =	sshll.u32 s4, $0x4  }
0x8: {  	s1 =	stileid.u32;
	s5 =	sand.u32 $0x10, s4;
	s4 =	simm.s32 $0x1  }
0x9: {  	s7 =	simm.s32 $0x0;
	s5 =	sor.u32 s1, s5;
	[sflag:s4] =	ssyncpa.u1 $0x0  }
0xa: {  	[sflag:s6] =	ssyncpa.u1 $0x0;
	s6 =	simm.s32 $0x60000;
	s11 =	smov.u32 s5  }
.LBB1_5:
0xb: {  	p1 =	slt.u32 s7, $0x2  }
0xc: {  	s15 =	smov.u32 s13;
	p2 =	sgt.s32 @!p1 s13, $0x1F;
	s14 =	sshra.s32 @!p1 s13, $0x1F  }
0xd: {  	p3 =	sgt.s32 @!p1 s12, $0x2F80;
	s16 =	sshra.s32 @!p1 s12, $0x1F;
	p2 =	por !p2, p1  }
0xe: {  	s13 =	sand.u32 @!p1 s14, s13;
	p3 =	por !p3, p1;
	s14 =	smov.u32 s12  }
0xf: {  	s12 =	sand.u32 @!p1 s16, s12;
	s15 =	simm.s32 @p2 $0x1F;
	s14 =	simm.s32 @p3 $0x2F80  }
0x10: {  	s16 =	smov.u32 s11;
	s13 =	ssub.s32 @!p1 s15, s13;
	s12 =	ssub.s32 @!p1 s14, s12  }
0x11: {  	s14 =	sadd.s32 @!p1 $0xFFFFFFE1, s13;
	s13 =	ssub.s32 @!p1 $0x20, s13;
	s15 =	sadd.s32 @!p1 $0xFFFFD080, s12  }
0x12: {  	p2 =	sgt.s32 @!p1 s14, $0x0;
	s13 =	smul.u32 @!p1 $0x55, s13;
	p3 =	sgt.s32 @!p1 s15, $0x7F  }
0x13: {  	s12 =	ssub.s32 @!p1 $0x3000, s12;
	p2 =	por !p2, p1;
	p3 =	por !p3, p1  }
0x14: {  	s14 =	sadd.s32 $0x80, s10;
	s13 =	simm.s32 @!p2 $0x0;
	s12 =	simm.s32 @!p3 $0x0  }
0x15: {  	p2 =	sgt.s32 s14, $0x2FFF;
	s12 =	smul.u32 @!p1 s12, s13;
	s13 =	sadd.s32 $0x20, s11  }
0x16: {  	s16 =	smov.u32 @p2 s13  }
0x17: {  	s7 =	sadd.s32 $0x1, s7;
	s14 =	simm.s32 @p2 $0x0;
	p2 =	sgt.s32 s16, $0x1F  }
0x18: {  	s16 =	smov.u32 @p2 s5;
	p2 =	sne.s32 s7, $0x62  }
.Ltmp1:
0x19: {  	p0 =	por !p0, !p0;
	(pc) =	sbr.rel @!p2 .LBB1_6-.Ltmp1, $4  }
0x1a: {  	s15 =	simm.s32 @!p1 $0x2;
	s13 =	smov.u32 s9;
	s12 =	sand.u32 @!p1 $0x3FFFFFFF, s12  }
0x1b: {  	s9 =	smov.u32 s11;
	_ =	swait.ge @!p1 [sflag:s15], s12;
	s17 =	ssub.s32 @!p1 $0x0, s12  }
0x1c: {  	s12 =	smov.u32 s8;
	s8 =	smov.u32 s10;
	[sflag:s15] =	ssyncset.done @!p1 $0x0  }
0x1d: {  	s10 =	smov.u32 s14;
	s11 =	smov.u32 s16;
	[sflag:s15] =	ssyncadd.s32 @!p1 s17  }
.LBB1_1:
0x1e: {  	p1 =	sgt.u32 s7, $0x5F  }
0x1f: {  	s14 =	sand.u32 @!p1 $0x1FFFFFF, s10  }
0x20: {  	s15 =	smulhi.u32 @!p1 $0xAAAAAB, s14;
	_ =	sdelay $0x1  }
0x21: {  	s15 =	sshrl.u32 @!p1 s15, $0x5  }
0x22: {  	s15 =	smul.u32 @!p1 $0x3000, s15  }
0x23: {  	s16 =	smul.u32 @!p1 $0x30000, s11  }
0x24: {  	s14 =	ssub.s32 @!p1 s14, s15;
	s15 =	sxor.u32 @!p1 $0xFFFFFFFF, s7  }
0x25: {  	s16 =	sadd.s32 @!p1 s3, s16;
	s15 =	sshll.u32 @!p1 s15, $0xE;
	s14 =	sshll.u32 @!p1 s14, $0x4  }
0x26: {  	s15 =	sand.u32 @!p1 $0x4000, s15;
	s14 =	sadd.s32 @!p1 s14, s16;
	s16 =	simm.s32 @!p1 $0x0  }
0x27: {  	[tilespmem:s15], [sflag:$0x1] =	stream.linear.gather @!p1 [hbm4b:s14+s16], $0x4000, $0x38;
	[tilespmem:$0x10100] =	vst v63  }
0x28: {  	p1 =	seq.s32 s7, $0x0  }
0x29: {  	p2 =	seq.s32 @!p1 s7, $0x61  }
0x2a: {  	p1 =	por p1, p2  }
.Ltmp2:
0x2b: {  	_ = 	snop;
	(pc) =	sbr.rel @p1 .LBB1_5-.Ltmp2, $1  }
0x2c: {  	_ =	sdelay $0x3  }
0x2d: {  	s14 =	simm.s32 $0x1  }
0x2e: {  	_ =	swait.ge [sflag:s4], $0x4000;
	s14 =	simm.s32 @!p0 $0x0  }
0x2f: {  	[sflag:s4] =	ssyncset.done $0x0;
	s15 =	sshll.u32 s14, $0xE  }
0x30: {  	[sflag:s4] =	ssyncadd.s32 $0xFFFFC000;
	s15 =	sor.u32 $0x40, s15  }
0x31: {  	s14 =	smul.u32 $0x10200, s14;
	v0 =	vld [tilespmem:s15+$0x30]  }
0x32: {  	v1 =	vld [tilespmem:s15+$0xFFFFFFD0]  }
0x33: {  	s14 =	sshrl.u32 s14, $0x2;
	v5 =	vld [tilespmem:s15+$0xFFFFFFE0]  }
0x34: {  	v6 =	vld [tilespmem:s15+$0xFFFFFFF0];
	s17 =	sor.u32 $0x8000, s14  }
0x35: {  	s31 =	sand.u32 $0x1, s7;
	v4 =	vld [tilespmem:s15+$0x0];
	s16 =	sadd.s32 $0x0, s17  }
0x36: {  	v3 =	vld [tilespmem:s15+$0x10];
	s14 =	smul.u32 $0x10200, s31;
	[tilespmem:s16+$0x3870 ss:$0x81] =	vst.msk $0xffff, v0  }
0x37: {  	v2 =	vld [tilespmem:s15+$0x20];
	[tilespmem:s16+$0x810 ss:$0x81] =	vst.msk $0xffff, v1  }
0x38: {  	s14 =	sshrl.u32 s14, $0x2;
	v1 =	vld [tilespmem:s15+$0xFFFFFFC0];
	[tilespmem:s16+$0x1020 ss:$0x81] =	vst.msk $0xffff, v5;
	s15 =	sadd.s32 $0x80, s15  }
0x39: {  	s18 =	simm.s32 $0x4;
	s19 =	simm.s32 $0x8;
	s14 =	sor.u32 $0x8000, s14;
	[tilespmem:s16+$0x1830 ss:$0x81] =	vst.msk $0xffff, v6;
	v0 =	vld [tilespmem:s15+$0x30]  }
.LBB1_3:
0x3a: {  	p1 =	sne.s32 s19, $0x1FC;
	v5 =	vld [tilespmem:s15+$0xFFFFFFD0];
	[tilespmem:s16+$0x2040 ss:$0x81] =	vst.msk $0xffff, v4  }
0x3b: {  	v6 =	vld [tilespmem:s15+$0xFFFFFFE0];
	[tilespmem:s16+$0x2850 ss:$0x81] =	vst.msk $0xffff, v3  }
0x3c: {  	s20 =	sshra.s32 s18, $0x2;
	s18 =	smov.u32 s19;
	v7 =	vld [tilespmem:s15+$0xFFFFFFF0];
	[tilespmem:s16+$0x3060 ss:$0x81] =	vst.msk $0xffff, v2  }
.Ltmp3:
0x3d: {  	v4 =	vld [tilespmem:s15+$0x0];
	[tilespmem:s16+$0x0 ss:$0x81] =	vst.msk $0xffff, v1;
	s16 =	sadd.s32 s20, s17;
	(pc) =	sbr.rel @p1 .LBB1_3-.Ltmp3, $4  }
0x3e: {  	v3 =	vld [tilespmem:s15+$0x10];
	[tilespmem:s16+$0x3870 ss:$0x81] =	vst.msk $0xffff, v0  }
0x3f: {  	[tilespmem:s16+$0x810 ss:$0x81] =	vst.msk $0xffff, v5;
	v2 =	vld [tilespmem:s15+$0x20]  }
0x40: {  	v1 =	vld [tilespmem:s15+$0xFFFFFFC0];
	[tilespmem:s16+$0x1020 ss:$0x81] =	vst.msk $0xffff, v6;
	s15 =	sadd.s32 $0x80, s15  }
0x41: {  	s19 =	sadd.s32 $0x4, s19;
	v0 =	vld [tilespmem:s15+$0x30];
	[tilespmem:s16+$0x1830 ss:$0x81] =	vst.msk $0xffff, v7  }
0x42: {  	s19 =	sshrl.u32 s9, $0x3;
	s20 =	sshll.u32 s8, $0x3;
	s21 =	sshll.u32 s9, $0x7  }
0x43: {  	s22 =	sand.u32 $0x7F, s8;
	s18 =	sshra.s32 s18, $0x2;
	p1 =	sgt.s32 s9, $0x1F  }
0x44: {  	s24 =	sshra.s32 s9, $0x1F;
	s19 =	smul.u32 $0x18000, s19;
	s20 =	sand.u32 $0xFFFFFC00, s20  }
0x45: {  	s21 =	sand.u32 $0x380, s21;
	s17 =	sadd.s32 s18, s17;
	s18 =	smov.u32 s9  }
0x46: {  	v5 =	vld [tilespmem:s15+$0xFFFFFFD0];
	s22 =	sor.u32 s22, s21;
	s18 =	simm.s32 @!p1 $0x1F;
	s19 =	sadd.s32 s19, s20  }
0x47: {  	[tilespmem:s16+$0x2040 ss:$0x81] =	vst.msk $0xffff, v4;
	v58 =	vld [tilespmem:s15+$0xFFFFFFE0];
	p1 =	sgt.s32 s8, $0x2F80;
	s20 =	sor.u32 s19, s22;
	s22 =	sand.u32 s24, s9  }
0x48: {  	v59 =	vld [tilespmem:s15+$0xFFFFFFF0];
	[tilespmem:s16+$0x2850 ss:$0x81] =	vst.msk $0xffff, v3;
	s23 =	smulhi.u32 $0xAAAAAAAB, s20;
	s18 =	ssub.s32 s18, s22;
	s22 =	smov.u32 s8  }
0x49: {  	[tilespmem:s16+$0x3060 ss:$0x81] =	vst.msk $0xffff, v2;
	s25 =	smulhi.u32 $0xAAAAAAAB, s19;
	s22 =	simm.s32 @!p1 $0x2F80;
	s27 =	sadd.s32 $0xFFFFFFE1, s18  }
0x4a: {  	v60 =	vld [tilespmem:s15+$0x0];
	[tilespmem:s16+$0x0 ss:$0x81] =	vst.msk $0xffff, v1;
	s18 =	ssub.s32 $0x20, s18;
	s21 =	sshrl.u32 s23, $0xD;
	s23 =	sshra.s32 s8, $0x1F  }
0x4b: {  	v61 =	vld [tilespmem:s15+$0x10];
	[tilespmem:s17+$0x3870 ss:$0x81] =	vst.msk $0xffff, v0;
	s16 =	sshrl.u32 s25, $0xD;
	s18 =	smul.u32 $0x55, s18;
	s26 =	sand.u32 s23, s8  }
0x4c: {  	v62 =	vld [tilespmem:s15+$0x20];
	[tilespmem:s17+$0x810 ss:$0x81] =	vst.msk $0xffff, v5;
	s16 =	sand.u32 $0x1F, s16;
	s29 =	smul.u32 $0x3000, s21;
	s19 =	ssub.s32 s22, s26  }
0x4d: {  	v63 =	vld [tilespmem:s15+$0xFFFFFFC0];
	[tilespmem:s17+$0x1020 ss:$0x81] =	vst.msk $0xffff, v58;
	p1 =	sgt.s32 s27, $0x0;
	s16 =	smul.u32 $0x600, s16;
	s28 =	sadd.s32 $0xFFFFD080, s19  }
0x4e: {  	[tilespmem:s17+$0x1830 ss:$0x81] =	vst.msk $0xffff, v59;
	s18 =	simm.s32 @p1 $0x0;
	s19 =	ssub.s32 $0x3000, s19;
	p2 =	sgt.s32 s28, $0x7F  }
.Ltmp4:
0x4f: {  	[tilespmem:s17+$0x2040 ss:$0x81] =	vst.msk $0xffff, v60;
	s15 =	ssub.s32 s20, s29;
	s19 =	simm.s32 @p2 $0x0;
	(pc) =	sbr.rel .LBB1_5-.Ltmp4, $4  }
0x50: {  	[tilespmem:s17+$0x2850 ss:$0x81] =	vst.msk $0xffff, v61;
	s30 =	sshrl.u32 s15, $0x3;
	s15 =	sand.u32 $0x7, s15;
	s18 =	smul.u32 s19, s18  }
0x51: {  	[tilespmem:s17+$0x3060 ss:$0x81] =	vst.msk $0xffff, v62;
	s15 =	sshll.u32 s15, $0x12;
	s19 =	sadd.s32 s2, s30  }
0x52: {  	[tilespmem:s17+$0x0 ss:$0x81] =	vst.msk $0xffff, v63;
	s15 =	sor.u32 $0x80, s15;
	s16 =	sadd.s32 s16, s19;
	s31 =	sand.u32 $0x3FFFFFFF, s18  }
0x53: {  	[hbm4b:s16+s15] =	stream.strided.scatter [tilespmem:s14], [sflag:$0x2], s31, s6, s15, $0x20;
	[tilespmem:$0x10100] =	vst v63  }
.LBB1_6:
0x54: {  	_ =	sfence.sel $0x180000  }
0x55: {  	s2 =	simm.s32 $0x1;
	[bflag:$0x0] =	sbarrier.arrive $0xFFFF  }
0x56: {  	s31 =	simm.s32 $0x2;
	[sflag:s2] =	ssyncpa.u1 $0x1  }
0x57: {  	[sflag:s31] =	ssyncpa.u1 $0x1  }
0x58: {  	p0 =	sne.s32 s1, $0x0;
	_ =	strace $0x90000047  }
0x59: {  	s0 =	sadd.s32 @!p0 $0x100000, s0;
	[bflag:$0x2] =	sbarrier.arrive $0xFFFF  }
0x5a: {  	[sflag:s0] =	ssyncadd.tile.s32 @!p0 $0x1;
	_ =	shalt  }
.Lfunc_end1:
_tile_overlayer_lowered:
.L_overlay_start_2:
0x5b: {  	(tag) =	ssettag $0x2  }
0x5c: {  	s0 =	rddreg [dreg:$0x0];
	s2 =	stileid.u32  }
0x5d: {  	s1 =	rddreg [dreg:$0x1];
	p0 =	sne.s32 s2, $0x0  }
0x5e: {  	s3 =	rddreg [dreg:$0x2];
	[bflag:$0x3] =	sbarrier.arrive $0xFFFF;
	s2 =	simm.s32 @!p0 $0x1C01  }
0x5f: {  	[timem:s3], [sflag:s2] =	dma.local @!p0 [hbm:s0], s1  }
0x60: {  	s0 =	simm.s32 @!p0 $0x1  }
0x61: {  	_ =	swait.ge @!p0 [sflag:s0], s1  }
0x62: {  	s1 =	ssub.s32 @!p0 $0x0, s1;
	[sflag:s0] =	ssyncset.done @!p0 $0x0  }
0x63: {  	[sflag:s0] =	ssyncadd.s32 @!p0 s1  }
0x64: {  	[bflag:$0x3] =	sbarrier.arrive $0xFFFF  }
0x65: {  	_ =	shalt  }

</sc_bundles>
